<compile_context>
chip_gen: v7x
topology: tpu7x:2x2x1
jax: 0.10.2.dev20260603
libtpu: 0.0.44.dev20260713+nightly
codegen_flags: <defaults>
</compile_context>

<pallas_src>
import jax
import jax.numpy as jnp
from jax.experimental import pallas as pl
from jax.experimental.pallas import tpu as pltpu
from jax.experimental.pallas import tpu_sc as plsc

_K = 8192
_D = 32
_N = 8192
_RB = 1024
_NB = _N // _RB
_PANEL = 2048
_NP = _K // _PANEL
_BETA = 0.25

_GATHER_WINDOW = 256


def _argmin_body(rowsum_ref, esum_ref, ze_ref, e_ref, idx_ref, loss_ref):
    i = pl.program_id(0)
    ze_b = ze_ref[...].astype(jnp.bfloat16).astype(jnp.float32)
    mm = jax.lax.dot_general(
        ze_b, e_ref[...], (((1,), (1,)), ((), ())),
        preferred_element_type=jnp.float32)
    dist = (rowsum_ref[...] + esum_ref[...]) - mm * 2.0

    idx = jnp.zeros((_RB, 1), jnp.int32)
    val = jnp.zeros((_RB, 1), jnp.float32)
    acc = jnp.full((_RB, 1), jnp.inf, jnp.float32)
    iota = jax.lax.broadcasted_iota(jnp.int32, (_RB, _PANEL), 1)
    for p in range(_NP):
        dp = dist[:, p * _PANEL:(p + 1) * _PANEL]
        m = jnp.min(dp, axis=1, keepdims=True)
        a = jnp.min(jnp.where(dp == m, iota, _K), axis=1,
                    keepdims=True).astype(jnp.int32) + p * _PANEL
        upd = m < acc
        idx = jnp.where(upd, a, idx)
        val = jnp.where(upd, m, val)
        acc = jnp.where(upd, m.astype(jnp.bfloat16).astype(jnp.float32), acc)

    idx_ref[...] = idx
    part = jnp.sum(val, keepdims=True)

    @pl.when(i == 0)
    def _():
        loss_ref[...] = jnp.zeros((1, 1), jnp.float32)

    loss_ref[...] += part

    @pl.when(i == _NB - 1)
    def _():
        loss_ref[...] = loss_ref[...] * ((1.0 + _BETA) / (_N * _D))


def _nearest_code(rowsum, esum, ze, e):
    return pl.pallas_call(
        _argmin_body,
        grid=(_NB,),
        in_specs=[
            pl.BlockSpec((_RB, 1), lambda i: (i, 0)),
            pl.BlockSpec((1, _K), lambda i: (0, 0)),
            pl.BlockSpec((_RB, _D), lambda i: (i, 0)),
            pl.BlockSpec((_K, _D), lambda i: (0, 0)),
        ],
        out_specs=[
            pl.BlockSpec((_RB, 1), lambda i: (i, 0)),
            pl.BlockSpec((1, 1), lambda i: (0, 0)),
        ],
        out_shape=[
            jax.ShapeDtypeStruct((_N, 1), jnp.int32),
            jax.ShapeDtypeStruct((1, 1), jnp.float32),
        ],
    )(rowsum, esum, ze, e)


_GROW = 128


def _sc_gather(e_pad, idx_row):
    mesh = plsc.VectorSubcoreMesh(core_axis_name="core",
                                  subcore_axis_name="subcore")

    @pl.kernel(out_type=jax.ShapeDtypeStruct((_N, _GROW), e_pad.dtype),
               mesh=mesh)
    def kernel(e_hbm, i_hbm, o_hbm):
        def body(i_vmem, o_vmem):
            pltpu.sync_copy(e_hbm.at[i_vmem.at[0]], o_vmem)

        pltpu.emit_pipeline(
            body,
            grid=(_N // _GATHER_WINDOW,),
            in_specs=[pl.BlockSpec((1, _GATHER_WINDOW),
                                   index_map=lambda i: (0, i))],
            out_specs=[pl.BlockSpec((_GATHER_WINDOW, _GROW),
                                    index_map=lambda i: (i, 0))],
            core_axis_name="subcore",
            dimension_semantics=(pltpu.PARALLEL,),
        )(i_hbm, o_hbm)

    return kernel(e_pad, idx_row)


def kernel(inputs, E):
    ze_tensor = jnp.transpose(inputs, (0, 2, 3, 1))
    ze = ze_tensor.reshape(-1, _D)
    rowsum = jnp.sum(ze ** 2, axis=1, keepdims=True)
    esum = jnp.sum(E ** 2, axis=1).reshape(1, _K)
    idx, loss = _nearest_code(rowsum, esum, ze, E)
    e_pad = jnp.pad(E, ((0, 0), (0, _GROW - _D)))
    zq = _sc_gather(e_pad, idx.reshape(1, _N))[:, :_D]
    zq_tensor = zq.reshape(ze_tensor.shape)
    zq_st = ze_tensor + (zq_tensor - ze_tensor)
    return (loss.reshape(()), jnp.transpose(zq_st, (0, 3, 1, 2)))

# --- scband reference (transcript-rebuilt; emitter-appended) ---
"""Pipeline reference for scband-vector-quantizer-15032385536268 (READ-ONLY COPY).

The authoritative reference and input builder live on the scoring server;
editing this copy changes nothing except your own understanding.
"""

import jax, jax.numpy as jnp
import numpy as np

K = 8192
D = 32
BETA = 0.25


def setup_inputs(seed: int = 0) -> dict:
    key = jax.random.key(seed)
    k1, k2 = jax.random.split(key)
    inputs = jax.random.normal(k1, (8, 32, 32, 32), dtype=jnp.float32)
    E = jax.random.uniform(k2, (K, D), dtype=jnp.float32, minval=-1.0 / K, maxval=1.0 / K)
    return {"inputs": inputs, "E": E}


def reference(inputs, E):
    # inputs: [B, D, H, W] -> [B, H, W, D]
    Ze_tensor = jnp.transpose(inputs, (0, 2, 3, 1))
    Ze_tensor_shape = Ze_tensor.shape
    Ze = Ze_tensor.reshape(-1, D)
    # pairwise squared distances to codebook
    dist = (jnp.sum(Ze ** 2, axis=1, keepdims=True)
            + jnp.sum(E ** 2, axis=1)
            - 2.0 * jnp.matmul(Ze, E.T))
    encoding_indices = jnp.argmin(dist, axis=1)
    Zq_tensor = jnp.take(E, encoding_indices, axis=0).reshape(Ze_tensor_shape)
    e_latent_loss = jnp.mean((jax.lax.stop_gradient(Zq_tensor) - Ze_tensor) ** 2)
    q_latent_loss = jnp.mean((Zq_tensor - jax.lax.stop_gradient(Ze_tensor)) ** 2)
    e_and_q_latent_loss = q_latent_loss + BETA * e_latent_loss
    # straight-through estimator
    Zq_st = Ze_tensor + jax.lax.stop_gradient(Zq_tensor - Ze_tensor)
    Zq_out = jnp.transpose(Zq_st, (0, 3, 1, 2))
    return (e_and_q_latent_loss, Zq_out)

if __name__ == "__main__":
    import jax
    _d = setup_inputs()
    print(jax.jit(kernel)(*tuple(_d.values())))

</pallas_src>

<mosaic_0001>
#map = affine_map<(d0, d1) -> (0, 0)>
module attributes {stable_mosaic.version = 14 : i64} {
  func.func @kernel(%arg0: i32, %arg1: i32, %arg2: memref<8192x128xf32, #tpu.memory_space<hbm>>, %arg3: memref<1x8192xi32, #tpu.memory_space<hbm>>, %arg4: memref<8192x128xf32, #tpu.memory_space<hbm>>) attributes {dimension_semantics = [#tpu.dimension_semantics<core_parallel>, #tpu.dimension_semantics<subcore_parallel>], iteration_bounds = array<i64: 2, 16>, scalar_prefetch = 0 : i64, scratch_operands = 0 : i64, tpu.core_type = #tpu.core_type<sc_vector_subcore>, window_params = [{transform_indices = #map}, {transform_indices = #map}, {transform_indices = #map}]} {
    %mul3A = arith.constant 2 : i32
    %mul3A_0 = arith.muli %arg1, %mul3A : i32
    "tpu.region"() ({
      %run_scoped3A = memref.alloca() : memref<2x1x256xi32, #tpu.memory_space<vmem>>
      %run_scoped3A_1 = tpu.sem_alloc : memref<2x!tpu.dma_semaphore, #tpu.memory_space<semaphore_mem>>
      %run_scoped3A_2 = memref.alloca() : memref<2x256x128xf32, #tpu.memory_space<vmem>>
      %run_scoped3A_3 = tpu.sem_alloc : memref<2x!tpu.dma_semaphore, #tpu.memory_space<semaphore_mem>>
      %add3A = arith.constant 0 : i32
      %add3A_4 = arith.addi %add3A, %mul3A_0 : i32
      %select_n3A = arith.constant true
      %select_n3A_5 = arith.constant 0 : i32
      %select_n3A_6 = arith.constant -1 : i32
      %select_n3A_7 = arith.select %select_n3A, %select_n3A_6, %select_n3A_5 : i32
      %eq3A = arith.constant -1 : i32
      %eq3A_8 = arith.cmpi eq, %select_n3A_7, %eq3A : i32
      %select_n3A_9 = arith.constant 1 : i32
      %select_n3A_10 = arith.select %eq3A_8, %select_n3A_9, %select_n3A_7 : i32
      %add3A_11 = arith.addi %select_n3A_10, %mul3A_0 : i32
      %select_n3A_12 = arith.constant true
      %select_n3A_13 = arith.constant 0 : i32
      %select_n3A_14 = arith.constant 1 : i32
      %select_n3A_15 = arith.select %select_n3A_12, %select_n3A_14, %select_n3A_13 : i32
      %eq3A_16 = arith.constant 2 : i32
      %eq3A_17 = arith.cmpi eq, %select_n3A_15, %eq3A_16 : i32
      %select_n3A_18 = arith.constant 0 : i32
      %select_n3A_19 = arith.select %eq3A_17, %select_n3A_18, %select_n3A_15 : i32
      %add3A_20 = arith.addi %select_n3A_19, %mul3A_0 : i32
      %add3A_21 = arith.constant 1 : i32
      %add3A_22 = arith.addi %select_n3A_19, %add3A_21 : i32
      %select_n3A_23 = arith.constant true
      %select_n3A_24 = arith.select %select_n3A_23, %add3A_22, %select_n3A_19 : i32
      %eq3A_25 = arith.constant 2 : i32
      %eq3A_26 = arith.cmpi eq, %select_n3A_24, %eq3A_25 : i32
      %select_n3A_27 = arith.constant 0 : i32
      %select_n3A_28 = arith.select %eq3A_26, %select_n3A_27, %select_n3A_24 : i32
      %add3A_29 = arith.addi %select_n3A_28, %mul3A_0 : i32
      "tpu.trace_start"() <{level = 10 : i32, message = "ep_initialize_0"}> : () -> ()
      %rem3A = arith.constant 0 : i32
      %rem3A_30 = arith.constant 2 : i32
      %rem3A_31 = arith.remui %rem3A, %rem3A_30 : i32
      %mul3A_32 = arith.constant 256 : i32
      %mul3A_33 = arith.muli %mul3A_32, %add3A_4 : i32
      %dma_start3A = arith.constant 0 : i32
      %dma_start3A_34 = arith.constant 0 : i32
      %dma_start3A_35 = tpu.memref_slice %run_scoped3A[%rem3A_31, %dma_start3A, %dma_start3A_34] : memref<2x1x256xi32, #tpu.memory_space<vmem>> -> memref<1x1x256xi32, #tpu.memory_space<vmem>>
      %dma_start3A_36 = tpu.memref_squeeze %dma_start3A_35 : memref<1x1x256xi32, #tpu.memory_space<vmem>> -> memref<1x256xi32, #tpu.memory_space<vmem>>
      %dma_start3A_37 = arith.constant 0 : i32
      %dma_start3A_38 = tpu.memref_slice %arg3[%dma_start3A_37, %mul3A_33] : memref<1x8192xi32, #tpu.memory_space<hbm>> -> memref<1x256xi32, #tpu.memory_space<hbm>>
      %dma_start3A_39 = tpu.memref_slice %run_scoped3A_1[%rem3A_31] : memref<2x!tpu.dma_semaphore, #tpu.memory_space<semaphore_mem>> -> memref<1x!tpu.dma_semaphore, #tpu.memory_space<semaphore_mem>>
      %dma_start3A_40 = tpu.memref_squeeze %dma_start3A_39 : memref<1x!tpu.dma_semaphore, #tpu.memory_space<semaphore_mem>> -> memref<!tpu.dma_semaphore, #tpu.memory_space<semaphore_mem>>
      %dma_start3A_41 = arith.constant 0 : i32
      %dma_start3A_42 = arith.constant 0 : i32
      %dma_start3A_43 = tpu.memref_slice %run_scoped3A[%rem3A_31, %dma_start3A_41, %dma_start3A_42] : memref<2x1x256xi32, #tpu.memory_space<vmem>> -> memref<1x1x256xi32, #tpu.memory_space<vmem>>
      %dma_start3A_44 = tpu.memref_squeeze %dma_start3A_43 : memref<1x1x256xi32, #tpu.memory_space<vmem>> -> memref<1x256xi32, #tpu.memory_space<vmem>>
      %dma_start3A_45 = arith.constant 0 : i32
      %dma_start3A_46 = tpu.memref_slice %arg3[%dma_start3A_45, %mul3A_33] : memref<1x8192xi32, #tpu.memory_space<hbm>> -> memref<1x256xi32, #tpu.memory_space<hbm>>
      tpu.enqueue_dma source(%dma_start3A_46 : memref<1x256xi32, #tpu.memory_space<hbm>>) target(%dma_start3A_44 : memref<1x256xi32, #tpu.memory_space<vmem>>) target_semaphore(%dma_start3A_40 : memref<!tpu.dma_semaphore, #tpu.memory_space<semaphore_mem>>)
      %add3A_47 = arith.constant 0 : i32
      %add3A_48 = arith.constant 1 : i32
      %add3A_49 = arith.addi %add3A_47, %add3A_48 : i32
      %select_n3A_50 = arith.constant true
      %select_n3A_51 = arith.constant 0 : i32
      %select_n3A_52 = arith.select %select_n3A_50, %add3A_49, %select_n3A_51 : i32
      "tpu.trace_stop"() : () -> ()
      %scan3A = arith.constant 0 : i32
      %scan3A_53 = arith.constant 0 : i32
      %scan3A_54 = arith.constant 0 : i32
      %scan3A_55 = arith.constant 0 : i32
      %scan3A_56 = arith.constant 0 : i32
      %scan3A_57 = arith.constant 2 : i32
      %scan3A_58 = arith.addi %scan3A_56, %scan3A_57 : i32
      %scan3A_59 = arith.constant 1 : i32
      %scan3A_60:5 = scf.for %scan3A_114 = %scan3A_56 to %scan3A_58 step %scan3A_59 iter_args(%scan3A_115 = %select_n3A_52, %scan3A_116 = %scan3A, %scan3A_117 = %scan3A_53, %scan3A_118 = %scan3A_54, %scan3A_119 = %scan3A_55) -> (i32, i32, i32, i32, i32)  : i32 {
        %eq3A_120 = arith.constant 0 : i32
        %eq3A_121 = arith.cmpi eq, %scan3A_114, %eq3A_120 : i32
        %eq3A_122 = arith.constant 1 : i32
        %eq3A_123 = arith.cmpi eq, %scan3A_114, %eq3A_122 : i32
        %add3A_124 = arith.addi %scan3A_119, %mul3A_0 : i32
        %sub3A_125 = arith.constant 1 : i32
        %sub3A_126 = arith.subi %scan3A_119, %sub3A_125 : i32
        %select_n3A_127 = arith.constant true
        %select_n3A_128 = arith.select %select_n3A_127, %sub3A_126, %scan3A_119 : i32
        %eq3A_129 = arith.constant -1 : i32
        %eq3A_130 = arith.cmpi eq, %select_n3A_128, %eq3A_129 : i32
        %select_n3A_131 = arith.constant 1 : i32
        %select_n3A_132 = arith.select %eq3A_130, %select_n3A_131, %select_n3A_128 : i32
        %add3A_133 = arith.addi %select_n3A_132, %mul3A_0 : i32
        %add3A_134 = arith.constant 1 : i32
        %add3A_135 = arith.addi %scan3A_119, %add3A_134 : i32
        %select_n3A_136 = arith.constant true
        %select_n3A_137 = arith.select %select_n3A_136, %add3A_135, %scan3A_119 : i32
        %eq3A_138 = arith.constant 2 : i32
        %eq3A_139 = arith.cmpi eq, %select_n3A_137, %eq3A_138 : i32
        %select_n3A_140 = arith.constant 0 : i32
        %select_n3A_141 = arith.select %eq3A_139, %select_n3A_140, %select_n3A_137 : i32
        %add3A_142 = arith.addi %select_n3A_141, %mul3A_0 : i32
        %add3A_143 = arith.constant 1 : i32
        %add3A_144 = arith.addi %select_n3A_141, %add3A_143 : i32
        %select_n3A_145 = arith.constant true
        %select_n3A_146 = arith.select %select_n3A_145, %add3A_144, %select_n3A_141 : i32
        %eq3A_147 = arith.constant 2 : i32
        %eq3A_148 = arith.cmpi eq, %select_n3A_146, %eq3A_147 : i32
        %select_n3A_149 = arith.constant 0 : i32
        %select_n3A_150 = arith.select %eq3A_148, %select_n3A_149, %select_n3A_146 : i32
        %add3A_151 = arith.addi %select_n3A_150, %mul3A_0 : i32
        %ne3A = arith.cmpi ne, %add3A_124, %add3A_142 : i32
        %or3A = arith.constant false
        %or3A_152 = arith.ori %or3A, %ne3A : i1
        %ge3A = arith.constant 1 : i32
        %ge3A_153 = arith.cmpi sge, %scan3A_114, %ge3A : i32
        %not3A = arith.constant true
        %not3A_154 = arith.xori %ge3A_153, %not3A : i1
        %and3A = arith.andi %or3A_152, %not3A_154 : i1
        %convert_element_type3A = arith.extui %and3A : i1 to i32
        %cond3A = arith.constant 0 : i32
        %cond3A_155 = arith.cmpi ne, %convert_element_type3A, %cond3A : i32
        scf.if %cond3A_155 {
          "tpu.trace_start"() <{level = 10 : i32, message = "ep_copy_in"}> : () -> ()
          %rem3A_257 = arith.constant 2 : i32
          %rem3A_258 = arith.remui %scan3A_115, %rem3A_257 : i32
          %mul3A_259 = arith.constant 256 : i32
          %mul3A_260 = arith.muli %mul3A_259, %add3A_142 : i32
          %dma_start3A_261 = arith.constant 0 : i32
          %dma_start3A_262 = arith.constant 0 : i32
          %dma_start3A_263 = tpu.memref_slice %run_scoped3A[%rem3A_258, %dma_start3A_261, %dma_start3A_262] : memref<2x1x256xi32, #tpu.memory_space<vmem>> -> memref<1x1x256xi32, #tpu.memory_space<vmem>>
          %dma_start3A_264 = tpu.memref_squeeze %dma_start3A_263 : memref<1x1x256xi32, #tpu.memory_space<vmem>> -> memref<1x256xi32, #tpu.memory_space<vmem>>
          %dma_start3A_265 = arith.constant 0 : i32
          %dma_start3A_266 = tpu.memref_slice %arg3[%dma_start3A_265, %mul3A_260] : memref<1x8192xi32, #tpu.memory_space<hbm>> -> memref<1x256xi32, #tpu.memory_space<hbm>>
          %dma_start3A_267 = tpu.memref_slice %run_scoped3A_1[%rem3A_258] : memref<2x!tpu.dma_semaphore, #tpu.memory_space<semaphore_mem>> -> memref<1x!tpu.dma_semaphore, #tpu.memory_space<semaphore_mem>>
          %dma_start3A_268 = tpu.memref_squeeze %dma_start3A_267 : memref<1x!tpu.dma_semaphore, #tpu.memory_space<semaphore_mem>> -> memref<!tpu.dma_semaphore, #tpu.memory_space<semaphore_mem>>
          %dma_start3A_269 = arith.constant 0 : i32
          %dma_start3A_270 = arith.constant 0 : i32
          %dma_start3A_271 = tpu.memref_slice %run_scoped3A[%rem3A_258, %dma_start3A_269, %dma_start3A_270] : memref<2x1x256xi32, #tpu.memory_space<vmem>> -> memref<1x1x256xi32, #tpu.memory_space<vmem>>
          %dma_start3A_272 = tpu.memref_squeeze %dma_start3A_271 : memref<1x1x256xi32, #tpu.memory_space<vmem>> -> memref<1x256xi32, #tpu.memory_space<vmem>>
          %dma_start3A_273 = arith.constant 0 : i32
          %dma_start3A_274 = tpu.memref_slice %arg3[%dma_start3A_273, %mul3A_260] : memref<1x8192xi32, #tpu.memory_space<hbm>> -> memref<1x256xi32, #tpu.memory_space<hbm>>
          tpu.enqueue_dma source(%dma_start3A_274 : memref<1x256xi32, #tpu.memory_space<hbm>>) target(%dma_start3A_272 : memref<1x256xi32, #tpu.memory_space<vmem>>) target_semaphore(%dma_start3A_268 : memref<!tpu.dma_semaphore, #tpu.memory_space<semaphore_mem>>)
          "tpu.trace_stop"() : () -> ()
        } else {
        }
        %and3A_156 = arith.constant true
        %and3A_157 = arith.andi %and3A, %and3A_156 : i1
        %add3A_158 = arith.constant 1 : i32
        %add3A_159 = arith.addi %scan3A_115, %add3A_158 : i32
        %select_n3A_160 = arith.select %and3A_157, %add3A_159, %scan3A_115 : i32
        %ne3A_161 = arith.cmpi ne, %add3A_124, %add3A_142 : i32
        %or3A_162 = arith.constant false
        %or3A_163 = arith.ori %or3A_162, %ne3A_161 : i1
        %or3A_164 = arith.constant false
        %or3A_165 = arith.ori %or3A_163, %or3A_164 : i1
        %ge3A_166 = arith.constant 1 : i32
        %ge3A_167 = arith.cmpi sge, %scan3A_114, %ge3A_166 : i32
        %not3A_168 = arith.constant true
        %not3A_169 = arith.xori %ge3A_167, %not3A_168 : i1
        %and3A_170 = arith.andi %or3A_165, %not3A_169 : i1
        %ne3A_171 = arith.cmpi ne, %add3A_124, %add3A_133 : i32
        %or3A_172 = arith.constant false
        %or3A_173 = arith.ori %or3A_172, %ne3A_171 : i1
        %or3A_174 = arith.ori %or3A_173, %eq3A_121 : i1
        %convert_element_type3A_175 = arith.extui %or3A_174 : i1 to i32
        %cond3A_176 = arith.constant 0 : i32
        %cond3A_177 = arith.cmpi ne, %convert_element_type3A_175, %cond3A_176 : i32
        scf.if %cond3A_177 {
          "tpu.trace_start"() <{level = 10 : i32, message = "ep_wait_in"}> : () -> ()
          %mul3A_257 = arith.constant 256 : i32
          %mul3A_258 = arith.muli %mul3A_257, %add3A_124 : i32
          %rem3A_259 = arith.constant 2 : i32
          %rem3A_260 = arith.remui %scan3A_116, %rem3A_259 : i32
          %dma_wait3A_261 = arith.constant 0 : i32
          %dma_wait3A_262 = arith.constant 0 : i32
          %dma_wait3A_263 = tpu.memref_slice %run_scoped3A[%rem3A_260, %dma_wait3A_261, %dma_wait3A_262] : memref<2x1x256xi32, #tpu.memory_space<vmem>> -> memref<1x1x256xi32, #tpu.memory_space<vmem>>
          %dma_wait3A_264 = tpu.memref_squeeze %dma_wait3A_263 : memref<1x1x256xi32, #tpu.memory_space<vmem>> -> memref<1x256xi32, #tpu.memory_space<vmem>>
          %dma_wait3A_265 = arith.constant 0 : i32
          %dma_wait3A_266 = tpu.memref_slice %arg3[%dma_wait3A_265, %mul3A_258] : memref<1x8192xi32, #tpu.memory_space<hbm>> -> memref<1x256xi32, #tpu.memory_space<hbm>>
          %dma_wait3A_267 = tpu.memref_slice %run_scoped3A_1[%rem3A_260] : memref<2x!tpu.dma_semaphore, #tpu.memory_space<semaphore_mem>> -> memref<1x!tpu.dma_semaphore, #tpu.memory_space<semaphore_mem>>
          %dma_wait3A_268 = tpu.memref_squeeze %dma_wait3A_267 : memref<1x!tpu.dma_semaphore, #tpu.memory_space<semaphore_mem>> -> memref<!tpu.dma_semaphore, #tpu.memory_space<semaphore_mem>>
          %dma_wait3A_269 = arith.constant 0 : i32
          %dma_wait3A_270 = arith.constant 0 : i32
          %dma_wait3A_271 = tpu.memref_slice %run_scoped3A[%rem3A_260, %dma_wait3A_269, %dma_wait3A_270] : memref<2x1x256xi32, #tpu.memory_space<vmem>> -> memref<1x1x256xi32, #tpu.memory_space<vmem>>
          %dma_wait3A_272 = tpu.memref_squeeze %dma_wait3A_271 : memref<1x1x256xi32, #tpu.memory_space<vmem>> -> memref<1x256xi32, #tpu.memory_space<vmem>>
          %dma_wait3A_273 = arith.constant 0 : i32
          %dma_wait3A_274 = tpu.memref_slice %arg3[%dma_wait3A_273, %mul3A_258] : memref<1x8192xi32, #tpu.memory_space<hbm>> -> memref<1x256xi32, #tpu.memory_space<hbm>>
          tpu.wait_dma2 semaphore(%dma_wait3A_268 : memref<!tpu.dma_semaphore, #tpu.memory_space<semaphore_mem>>) src(%dma_wait3A_274 : memref<1x256xi32, #tpu.memory_space<hbm>>) dst(%dma_wait3A_272 : memref<1x256xi32, #tpu.memory_space<vmem>>)
          "tpu.trace_stop"() : () -> ()
        } else {
        }
        %ne3A_178 = arith.cmpi ne, %add3A_124, %add3A_133 : i32
        %or3A_179 = arith.constant false
        %or3A_180 = arith.ori %or3A_179, %ne3A_178 : i1
        %or3A_181 = arith.constant false
        %or3A_182 = arith.ori %or3A_180, %or3A_181 : i1
        %or3A_183 = arith.ori %or3A_182, %eq3A_121 : i1
        %convert_element_type3A_184 = arith.extui %or3A_183 : i1 to i32
        %cond3A_185 = arith.constant 0 : i32
        %cond3A_186 = arith.cmpi ne, %convert_element_type3A_184, %cond3A_185 : i32
        scf.if %cond3A_186 {
        } else {
        }
        %rem3A_187 = arith.constant 2 : i32
        %rem3A_188 = arith.remui %scan3A_116, %rem3A_187 : i32
        %rem3A_189 = arith.constant 2 : i32
        %rem3A_190 = arith.remui %scan3A_117, %rem3A_189 : i32
        %run_scoped3A_191 = arith.constant 0 : i32
        "tpu.trace_start"() <{level = 10 : i32, message = "ep_run_kernel"}> : () -> ()
        "tpu.region"() ({
          %run_scoped3A_257 = tpu.sem_alloc : memref<!tpu.dma_semaphore, #tpu.memory_space<semaphore_mem>>
          %dma_start3A_258 = arith.constant 0 : i32
          %dma_start3A_259 = arith.constant 0 : i32
          %dma_start3A_260 = tpu.memref_slice %run_scoped3A_2[%rem3A_190, %dma_start3A_258, %dma_start3A_259] : memref<2x256x128xf32, #tpu.memory_space<vmem>> -> memref<1x256x128xf32, #tpu.memory_space<vmem>>
          %dma_start3A_261 = tpu.memref_squeeze %dma_start3A_260 : memref<1x256x128xf32, #tpu.memory_space<vmem>> -> memref<256x128xf32, #tpu.memory_space<vmem>>
          %dma_start3A_262 = arith.constant 0 : i32
          %dma_start3A_263 = arith.constant 0 : i32
          %dma_start3A_264 = tpu.memref_slice %run_scoped3A[%rem3A_188, %dma_start3A_262, %dma_start3A_263] : memref<2x1x256xi32, #tpu.memory_space<vmem>> -> memref<1x1x256xi32, #tpu.memory_space<vmem>>
          %dma_start3A_265 = tpu.memref_squeeze %dma_start3A_264 : memref<1x1x256xi32, #tpu.memory_space<vmem>> -> memref<1x256xi32, #tpu.memory_space<vmem>>
          %dma_start3A_266 = arith.constant 0 : i32
          %dma_start3A_267 = tpu.memref_slice %dma_start3A_265[%run_scoped3A_191, %dma_start3A_266] : memref<1x256xi32, #tpu.memory_space<vmem>> -> memref<1x256xi32, #tpu.memory_space<vmem>>
          %dma_start3A_268 = tpu.memref_squeeze %dma_start3A_267 : memref<1x256xi32, #tpu.memory_space<vmem>> -> memref<256xi32, #tpu.memory_space<vmem>>
          %dma_start3A_269 = arith.constant 0 : i32
          %dma_start3A_270 = arith.constant 0 : i32
          %dma_start3A_271 = tpu.memref_slice %arg2[%dma_start3A_269, %dma_start3A_270] : memref<8192x128xf32, #tpu.memory_space<hbm>> -> memref<8192x128xf32, #tpu.memory_space<hbm>>
          tpu.enqueue_indirect_dma source(%dma_start3A_271 : memref<8192x128xf32, #tpu.memory_space<hbm>>) target(%dma_start3A_261 : memref<256x128xf32, #tpu.memory_space<vmem>>) offsets(%dma_start3A_268 : memref<256xi32, #tpu.memory_space<vmem>>) semaphore(%run_scoped3A_257 : memref<!tpu.dma_semaphore, #tpu.memory_space<semaphore_mem>>)
          %dma_wait3A_272 = arith.constant 0 : i32
          %dma_wait3A_273 = arith.constant 0 : i32
          %dma_wait3A_274 = tpu.memref_slice %run_scoped3A_2[%rem3A_190, %dma_wait3A_272, %dma_wait3A_273] : memref<2x256x128xf32, #tpu.memory_space<vmem>> -> memref<1x256x128xf32, #tpu.memory_space<vmem>>
          %dma_wait3A_275 = tpu.memref_squeeze %dma_wait3A_274 : memref<1x256x128xf32, #tpu.memory_space<vmem>> -> memref<256x128xf32, #tpu.memory_space<vmem>>
          %dma_wait3A_276 = arith.constant 0 : i32
          %dma_wait3A_277 = arith.constant 0 : i32
          %dma_wait3A_278 = tpu.memref_slice %run_scoped3A[%rem3A_188, %dma_wait3A_276, %dma_wait3A_277] : memref<2x1x256xi32, #tpu.memory_space<vmem>> -> memref<1x1x256xi32, #tpu.memory_space<vmem>>
          %dma_wait3A_279 = tpu.memref_squeeze %dma_wait3A_278 : memref<1x1x256xi32, #tpu.memory_space<vmem>> -> memref<1x256xi32, #tpu.memory_space<vmem>>
          %dma_wait3A_280 = arith.constant 0 : i32
          %dma_wait3A_281 = tpu.memref_slice %dma_wait3A_279[%run_scoped3A_191, %dma_wait3A_280] : memref<1x256xi32, #tpu.memory_space<vmem>> -> memref<1x256xi32, #tpu.memory_space<vmem>>
          %dma_wait3A_282 = tpu.memref_squeeze %dma_wait3A_281 : memref<1x256xi32, #tpu.memory_space<vmem>> -> memref<256xi32, #tpu.memory_space<vmem>>
          %dma_wait3A_283 = arith.constant 0 : i32
          %dma_wait3A_284 = arith.constant 0 : i32
          %dma_wait3A_285 = tpu.memref_slice %arg2[%dma_wait3A_283, %dma_wait3A_284] : memref<8192x128xf32, #tpu.memory_space<hbm>> -> memref<8192x128xf32, #tpu.memory_space<hbm>>
          tpu.wait_indirect_dma semaphore(%run_scoped3A_257 : memref<!tpu.dma_semaphore, #tpu.memory_space<semaphore_mem>>) src(%dma_wait3A_285 : memref<8192x128xf32, #tpu.memory_space<hbm>>) dst(%dma_wait3A_275 : memref<256x128xf32, #tpu.memory_space<vmem>>)
          tpu.yield
        }) : () -> ()
        "tpu.trace_stop"() : () -> ()
        %ne3A_192 = arith.cmpi ne, %add3A_124, %add3A_142 : i32
        %or3A_193 = arith.constant false
        %or3A_194 = arith.ori %or3A_193, %ne3A_192 : i1
        %or3A_195 = arith.ori %or3A_194, %eq3A_123 : i1
        %convert_element_type3A_196 = arith.extui %or3A_195 : i1 to i32
        %cond3A_197 = arith.constant 0 : i32
        %cond3A_198 = arith.cmpi ne, %convert_element_type3A_196, %cond3A_197 : i32
        scf.if %cond3A_198 {
        } else {
        }
        %and3A_199 = arith.constant false
        %and3A_200 = arith.andi %or3A_195, %and3A_199 : i1
        %ne3A_201 = arith.cmpi ne, %add3A_124, %add3A_142 : i32
        %or3A_202 = arith.constant false
        %or3A_203 = arith.ori %or3A_202, %ne3A_201 : i1
        %or3A_204 = arith.constant false
        %or3A_205 = arith.ori %or3A_203, %or3A_204 : i1
        %or3A_206 = arith.ori %or3A_205, %eq3A_123 : i1
        %convert_element_type3A_207 = arith.extui %or3A_206 : i1 to i32
        %cond3A_208 = arith.constant 0 : i32
        %cond3A_209 = arith.cmpi ne, %convert_element_type3A_207, %cond3A_208 : i32
        scf.if %cond3A_209 {
          "tpu.trace_start"() <{level = 10 : i32, message = "ep_copy_out"}> : () -> ()
          %rem3A_257 = arith.constant 2 : i32
          %rem3A_258 = arith.remui %scan3A_117, %rem3A_257 : i32
          %mul3A_259 = arith.constant 256 : i32
          %mul3A_260 = arith.muli %mul3A_259, %add3A_124 : i32
          %dma_start3A_261 = arith.constant 0 : i32
          %dma_start3A_262 = arith.constant 0 : i32
          %dma_start3A_263 = tpu.memref_slice %run_scoped3A_2[%rem3A_258, %dma_start3A_261, %dma_start3A_262] : memref<2x256x128xf32, #tpu.memory_space<vmem>> -> memref<1x256x128xf32, #tpu.memory_space<vmem>>
          %dma_start3A_264 = tpu.memref_squeeze %dma_start3A_263 : memref<1x256x128xf32, #tpu.memory_space<vmem>> -> memref<256x128xf32, #tpu.memory_space<vmem>>
          %dma_start3A_265 = arith.constant 0 : i32
          %dma_start3A_266 = tpu.memref_slice %arg4[%mul3A_260, %dma_start3A_265] : memref<8192x128xf32, #tpu.memory_space<hbm>> -> memref<256x128xf32, #tpu.memory_space<hbm>>
          %dma_start3A_267 = tpu.memref_slice %run_scoped3A_3[%rem3A_258] : memref<2x!tpu.dma_semaphore, #tpu.memory_space<semaphore_mem>> -> memref<1x!tpu.dma_semaphore, #tpu.memory_space<semaphore_mem>>
          %dma_start3A_268 = tpu.memref_squeeze %dma_start3A_267 : memref<1x!tpu.dma_semaphore, #tpu.memory_space<semaphore_mem>> -> memref<!tpu.dma_semaphore, #tpu.memory_space<semaphore_mem>>
          %dma_start3A_269 = arith.constant 0 : i32
          %dma_start3A_270 = tpu.memref_slice %arg4[%mul3A_260, %dma_start3A_269] : memref<8192x128xf32, #tpu.memory_space<hbm>> -> memref<256x128xf32, #tpu.memory_space<hbm>>
          %dma_start3A_271 = arith.constant 0 : i32
          %dma_start3A_272 = arith.constant 0 : i32
          %dma_start3A_273 = tpu.memref_slice %run_scoped3A_2[%rem3A_258, %dma_start3A_271, %dma_start3A_272] : memref<2x256x128xf32, #tpu.memory_space<vmem>> -> memref<1x256x128xf32, #tpu.memory_space<vmem>>
          %dma_start3A_274 = tpu.memref_squeeze %dma_start3A_273 : memref<1x256x128xf32, #tpu.memory_space<vmem>> -> memref<256x128xf32, #tpu.memory_space<vmem>>
          tpu.enqueue_dma source(%dma_start3A_274 : memref<256x128xf32, #tpu.memory_space<vmem>>) target(%dma_start3A_270 : memref<256x128xf32, #tpu.memory_space<hbm>>) target_semaphore(%dma_start3A_268 : memref<!tpu.dma_semaphore, #tpu.memory_space<semaphore_mem>>)
          "tpu.trace_stop"() : () -> ()
        } else {
        }
        %and3A_210 = arith.constant true
        %and3A_211 = arith.andi %or3A_206, %and3A_210 : i1
        %add3A_212 = arith.constant 1 : i32
        %add3A_213 = arith.addi %scan3A_117, %add3A_212 : i32
        %select_n3A_214 = arith.select %and3A_211, %add3A_213, %scan3A_117 : i32
        %ne3A_215 = arith.cmpi ne, %add3A_124, %add3A_133 : i32
        %or3A_216 = arith.constant false
        %or3A_217 = arith.ori %or3A_216, %ne3A_215 : i1
        %not3A_218 = arith.constant true
        %not3A_219 = arith.xori %eq3A_121, %not3A_218 : i1
        %and3A_220 = arith.andi %or3A_217, %not3A_219 : i1
        %convert_element_type3A_221 = arith.extui %and3A_220 : i1 to i32
        %cond3A_222 = arith.constant 0 : i32
        %cond3A_223 = arith.cmpi ne, %convert_element_type3A_221, %cond3A_222 : i32
        scf.if %cond3A_223 {
        } else {
        }
        %and3A_224 = arith.constant false
        %and3A_225 = arith.andi %and3A_220, %and3A_224 : i1
        %ne3A_226 = arith.cmpi ne, %add3A_124, %add3A_133 : i32
        %or3A_227 = arith.constant false
        %or3A_228 = arith.ori %or3A_227, %ne3A_226 : i1
        %or3A_229 = arith.constant false
        %or3A_230 = arith.ori %or3A_228, %or3A_229 : i1
        %not3A_231 = arith.constant true
        %not3A_232 = arith.xori %eq3A_121, %not3A_231 : i1
        %and3A_233 = arith.andi %or3A_230, %not3A_232 : i1
        %convert_element_type3A_234 = arith.extui %and3A_233 : i1 to i32
        %cond3A_235 = arith.constant 0 : i32
        %cond3A_236 = arith.cmpi ne, %convert_element_type3A_234, %cond3A_235 : i32
        scf.if %cond3A_236 {
          "tpu.trace_start"() <{level = 10 : i32, message = "ep_wait_out"}> : () -> ()
          %rem3A_257 = arith.constant 2 : i32
          %rem3A_258 = arith.remui %scan3A_118, %rem3A_257 : i32
          %mul3A_259 = arith.constant 256 : i32
          %mul3A_260 = arith.muli %mul3A_259, %add3A_133 : i32
          %dma_wait3A_261 = arith.constant 0 : i32
          %dma_wait3A_262 = arith.constant 0 : i32
          %dma_wait3A_263 = tpu.memref_slice %run_scoped3A_2[%rem3A_258, %dma_wait3A_261, %dma_wait3A_262] : memref<2x256x128xf32, #tpu.memory_space<vmem>> -> memref<1x256x128xf32, #tpu.memory_space<vmem>>
          %dma_wait3A_264 = tpu.memref_squeeze %dma_wait3A_263 : memref<1x256x128xf32, #tpu.memory_space<vmem>> -> memref<256x128xf32, #tpu.memory_space<vmem>>
          %dma_wait3A_265 = arith.constant 0 : i32
          %dma_wait3A_266 = tpu.memref_slice %arg4[%mul3A_260, %dma_wait3A_265] : memref<8192x128xf32, #tpu.memory_space<hbm>> -> memref<256x128xf32, #tpu.memory_space<hbm>>
          %dma_wait3A_267 = tpu.memref_slice %run_scoped3A_3[%rem3A_258] : memref<2x!tpu.dma_semaphore, #tpu.memory_space<semaphore_mem>> -> memref<1x!tpu.dma_semaphore, #tpu.memory_space<semaphore_mem>>
          %dma_wait3A_268 = tpu.memref_squeeze %dma_wait3A_267 : memref<1x!tpu.dma_semaphore, #tpu.memory_space<semaphore_mem>> -> memref<!tpu.dma_semaphore, #tpu.memory_space<semaphore_mem>>
          %dma_wait3A_269 = arith.constant 0 : i32
          %dma_wait3A_270 = tpu.memref_slice %arg4[%mul3A_260, %dma_wait3A_269] : memref<8192x128xf32, #tpu.memory_space<hbm>> -> memref<256x128xf32, #tpu.memory_space<hbm>>
          %dma_wait3A_271 = arith.constant 0 : i32
          %dma_wait3A_272 = arith.constant 0 : i32
          %dma_wait3A_273 = tpu.memref_slice %run_scoped3A_2[%rem3A_258, %dma_wait3A_271, %dma_wait3A_272] : memref<2x256x128xf32, #tpu.memory_space<vmem>> -> memref<1x256x128xf32, #tpu.memory_space<vmem>>
          %dma_wait3A_274 = tpu.memref_squeeze %dma_wait3A_273 : memref<1x256x128xf32, #tpu.memory_space<vmem>> -> memref<256x128xf32, #tpu.memory_space<vmem>>
          tpu.wait_dma2 semaphore(%dma_wait3A_268 : memref<!tpu.dma_semaphore, #tpu.memory_space<semaphore_mem>>) src(%dma_wait3A_274 : memref<256x128xf32, #tpu.memory_space<vmem>>) dst(%dma_wait3A_270 : memref<256x128xf32, #tpu.memory_space<hbm>>)
          "tpu.trace_stop"() : () -> ()
        } else {
        }
        %and3A_237 = arith.constant true
        %and3A_238 = arith.andi %and3A_233, %and3A_237 : i1
        %add3A_239 = arith.constant 1 : i32
        %add3A_240 = arith.addi %scan3A_118, %add3A_239 : i32
        %select_n3A_241 = arith.select %and3A_238, %add3A_240, %scan3A_118 : i32
        %ne3A_242 = arith.cmpi ne, %add3A_124, %add3A_142 : i32
        %or3A_243 = arith.constant false
        %or3A_244 = arith.ori %or3A_243, %ne3A_242 : i1
        %or3A_245 = arith.ori %or3A_244, %eq3A_123 : i1
        %add3A_246 = arith.constant 1 : i32
        %add3A_247 = arith.addi %scan3A_116, %add3A_246 : i32
        %select_n3A_248 = arith.select %or3A_245, %add3A_247, %scan3A_116 : i32
        %add3A_249 = arith.constant 1 : i32
        %add3A_250 = arith.addi %scan3A_119, %add3A_249 : i32
        %select_n3A_251 = arith.constant true
        %select_n3A_252 = arith.select %select_n3A_251, %add3A_250, %scan3A_119 : i32
        %eq3A_253 = arith.constant 2 : i32
        %eq3A_254 = arith.cmpi eq, %select_n3A_252, %eq3A_253 : i32
        %select_n3A_255 = arith.constant 0 : i32
        %select_n3A_256 = arith.select %eq3A_254, %select_n3A_255, %select_n3A_252 : i32
        scf.yield %select_n3A_160, %select_n3A_248, %select_n3A_214, %select_n3A_241, %select_n3A_256 : i32, i32, i32, i32, i32
      }
      %scan3A_61 = arith.constant 2 : i32
      %sub3A = arith.constant 1 : i32
      %sub3A_62 = arith.subi %scan3A_60#4, %sub3A : i32
      %select_n3A_63 = arith.constant true
      %select_n3A_64 = arith.select %select_n3A_63, %sub3A_62, %scan3A_60#4 : i32
      %eq3A_65 = arith.constant -1 : i32
      %eq3A_66 = arith.cmpi eq, %select_n3A_64, %eq3A_65 : i32
      %select_n3A_67 = arith.constant 1 : i32
      %select_n3A_68 = arith.select %eq3A_66, %select_n3A_67, %select_n3A_64 : i32
      %add3A_69 = arith.addi %select_n3A_68, %mul3A_0 : i32
      %sub3A_70 = arith.constant 1 : i32
      %sub3A_71 = arith.subi %select_n3A_68, %sub3A_70 : i32
      %select_n3A_72 = arith.constant true
      %select_n3A_73 = arith.select %select_n3A_72, %sub3A_71, %select_n3A_68 : i32
      %eq3A_74 = arith.constant -1 : i32
      %eq3A_75 = arith.cmpi eq, %select_n3A_73, %eq3A_74 : i32
      %select_n3A_76 = arith.constant 1 : i32
      %select_n3A_77 = arith.select %eq3A_75, %select_n3A_76, %select_n3A_73 : i32
      %add3A_78 = arith.addi %select_n3A_77, %mul3A_0 : i32
      %add3A_79 = arith.constant 1 : i32
      %add3A_80 = arith.addi %select_n3A_68, %add3A_79 : i32
      %select_n3A_81 = arith.constant true
      %select_n3A_82 = arith.select %select_n3A_81, %add3A_80, %select_n3A_68 : i32
      %eq3A_83 = arith.constant 2 : i32
      %eq3A_84 = arith.cmpi eq, %select_n3A_82, %eq3A_83 : i32
      %select_n3A_85 = arith.constant 0 : i32
      %select_n3A_86 = arith.select %eq3A_84, %select_n3A_85, %select_n3A_82 : i32
      %add3A_87 = arith.addi %select_n3A_86, %mul3A_0 : i32
      %add3A_88 = arith.constant 1 : i32
      %add3A_89 = arith.addi %select_n3A_86, %add3A_88 : i32
      %select_n3A_90 = arith.constant true
      %select_n3A_91 = arith.select %select_n3A_90, %add3A_89, %select_n3A_86 : i32
      %eq3A_92 = arith.constant 2 : i32
      %eq3A_93 = arith.cmpi eq, %select_n3A_91, %eq3A_92 : i32
      %select_n3A_94 = arith.constant 0 : i32
      %select_n3A_95 = arith.select %eq3A_93, %select_n3A_94, %select_n3A_91 : i32
      %add3A_96 = arith.addi %select_n3A_95, %mul3A_0 : i32
      "tpu.trace_start"() <{level = 10 : i32, message = "ep_finalize"}> : () -> ()
      %rem3A_97 = arith.constant 2 : i32
      %rem3A_98 = arith.remui %scan3A_60#3, %rem3A_97 : i32
      %mul3A_99 = arith.constant 256 : i32
      %mul3A_100 = arith.muli %mul3A_99, %add3A_69 : i32
      %dma_wait3A = arith.constant 0 : i32
      %dma_wait3A_101 = arith.constant 0 : i32
      %dma_wait3A_102 = tpu.memref_slice %run_scoped3A_2[%rem3A_98, %dma_wait3A, %dma_wait3A_101] : memref<2x256x128xf32, #tpu.memory_space<vmem>> -> memref<1x256x128xf32, #tpu.memory_space<vmem>>
      %dma_wait3A_103 = tpu.memref_squeeze %dma_wait3A_102 : memref<1x256x128xf32, #tpu.memory_space<vmem>> -> memref<256x128xf32, #tpu.memory_space<vmem>>
      %dma_wait3A_104 = arith.constant 0 : i32
      %dma_wait3A_105 = tpu.memref_slice %arg4[%mul3A_100, %dma_wait3A_104] : memref<8192x128xf32, #tpu.memory_space<hbm>> -> memref<256x128xf32, #tpu.memory_space<hbm>>
      %dma_wait3A_106 = tpu.memref_slice %run_scoped3A_3[%rem3A_98] : memref<2x!tpu.dma_semaphore, #tpu.memory_space<semaphore_mem>> -> memref<1x!tpu.dma_semaphore, #tpu.memory_space<semaphore_mem>>
      %dma_wait3A_107 = tpu.memref_squeeze %dma_wait3A_106 : memref<1x!tpu.dma_semaphore, #tpu.memory_space<semaphore_mem>> -> memref<!tpu.dma_semaphore, #tpu.memory_space<semaphore_mem>>
      %dma_wait3A_108 = arith.constant 0 : i32
      %dma_wait3A_109 = tpu.memref_slice %arg4[%mul3A_100, %dma_wait3A_108] : memref<8192x128xf32, #tpu.memory_space<hbm>> -> memref<256x128xf32, #tpu.memory_space<hbm>>
      %dma_wait3A_110 = arith.constant 0 : i32
      %dma_wait3A_111 = arith.constant 0 : i32
      %dma_wait3A_112 = tpu.memref_slice %run_scoped3A_2[%rem3A_98, %dma_wait3A_110, %dma_wait3A_111] : memref<2x256x128xf32, #tpu.memory_space<vmem>> -> memref<1x256x128xf32, #tpu.memory_space<vmem>>
      %dma_wait3A_113 = tpu.memref_squeeze %dma_wait3A_112 : memref<1x256x128xf32, #tpu.memory_space<vmem>> -> memref<256x128xf32, #tpu.memory_space<vmem>>
      tpu.wait_dma2 semaphore(%dma_wait3A_107 : memref<!tpu.dma_semaphore, #tpu.memory_space<semaphore_mem>>) src(%dma_wait3A_113 : memref<256x128xf32, #tpu.memory_space<vmem>>) dst(%dma_wait3A_109 : memref<256x128xf32, #tpu.memory_space<hbm>>)
      "tpu.trace_stop"() : () -> ()
      tpu.yield
    }) : () -> ()
    return
  }
}

module attributes {stable_mosaic.version = 14 : i64} {
  func.func @_argmin_body(%arg0: i32, %arg1: memref<1024x1xf32, #tpu.memory_space<vmem>>, %arg2: memref<1x8192xf32, #tpu.memory_space<vmem>>, %arg3: memref<1024x32xf32, #tpu.memory_space<vmem>>, %arg4: memref<8192x32xf32, #tpu.memory_space<vmem>>, %arg5: memref<1024x1xi32, #tpu.memory_space<vmem>>, %arg6: memref<1x1xf32, #tpu.memory_space<vmem>>) attributes {dimension_semantics = [#tpu.dimension_semantics<arbitrary>], iteration_bounds = array<i64: 8>, scalar_prefetch = 0 : i64, scratch_operands = 0 : i64, tpu.core_type = #tpu.core_type<tc>, window_params = [{transform_indices = @transform_0, window_bounds = array<i64: 1024, 1>}, {pipeline_mode = #tpu.pipeline_mode<synchronous>, transform_indices = @transform_1, window_bounds = array<i64: 1, 8192>}, {transform_indices = @transform_2, window_bounds = array<i64: 1024, 32>}, {pipeline_mode = #tpu.pipeline_mode<synchronous>, transform_indices = @transform_3, window_bounds = array<i64: 8192, 32>}, {transform_indices = @transform_4, window_bounds = array<i64: 1024, 1>}, {pipeline_mode = #tpu.pipeline_mode<synchronous>, transform_indices = @transform_5, window_bounds = array<i64: 1, 1>}]} {
    %get3A = arith.constant 0 : index
    %get3A_0 = arith.constant 0 : index
    %get3A_1 = vector.load %arg3[%get3A, %get3A_0] : memref<1024x32xf32, #tpu.memory_space<vmem>>, vector<1024x32xf32>
    %convert_element_type3A = arith.truncf %get3A_1 : vector<1024x32xf32> to vector<1024x32xbf16>
    %convert_element_type3A_2 = arith.extf %convert_element_type3A : vector<1024x32xbf16> to vector<1024x32xf32>
    %get3A_3 = arith.constant 0 : index
    %get3A_4 = arith.constant 0 : index
    %get3A_5 = vector.load %arg4[%get3A_3, %get3A_4] : memref<8192x32xf32, #tpu.memory_space<vmem>>, vector<8192x32xf32>
    %dot_general3A = arith.constant dense<0.000000e+00> : vector<1024x8192xf32>
    %dot_general3A_6 = tpu.matmul %convert_element_type3A_2, %get3A_5, %dot_general3A {dimension_numbers = #tpu.dot_dimension_numbers<[1], [1], [0], [0], [0, 0, 1, 0], [], []>, transpose_lhs_hint = false} : vector<1024x32xf32>, vector<8192x32xf32>, vector<1024x8192xf32> -> vector<1024x8192xf32>
    %get3A_7 = arith.constant 0 : index
    %get3A_8 = arith.constant 0 : index
    %get3A_9 = vector.load %arg1[%get3A_7, %get3A_8] : memref<1024x1xf32, #tpu.memory_space<vmem>>, vector<1024x1xf32>
    %get3A_10 = arith.constant 0 : index
    %get3A_11 = arith.constant 0 : index
    %get3A_12 = vector.load %arg2[%get3A_10, %get3A_11] : memref<1x8192xf32, #tpu.memory_space<vmem>>, vector<1x8192xf32>
    %add3A = vector.broadcast %get3A_9 : vector<1024x1xf32> to vector<1024x8192xf32>
    %add3A_13 = vector.broadcast %get3A_12 : vector<1x8192xf32> to vector<1024x8192xf32>
    %add3A_14 = arith.addf %add3A, %add3A_13 : vector<1024x8192xf32>
    %mul3A = arith.constant 2.000000e+00 : f32
    %mul3A_15 = vector.broadcast %mul3A : f32 to vector<1024x8192xf32>
    %mul3A_16 = arith.mulf %dot_general3A_6, %mul3A_15 : vector<1024x8192xf32>
    %sub3A = arith.subf %add3A_14, %mul3A_16 : vector<1024x8192xf32>
    %broadcast_in_dim3A = arith.constant 0 : i32
    %broadcast_in_dim3A_17 = vector.broadcast %broadcast_in_dim3A : i32 to vector<1024x1xi32>
    %broadcast_in_dim3A_18 = arith.constant 0.000000e+00 : f32
    %broadcast_in_dim3A_19 = vector.broadcast %broadcast_in_dim3A_18 : f32 to vector<1024x1xf32>
    %broadcast_in_dim3A_20 = arith.constant 0x7F800000 : f32
    %broadcast_in_dim3A_21 = vector.broadcast %broadcast_in_dim3A_20 : f32 to vector<1024x1xf32>
    %iota3A = tpu.iota {dimensions = array<i32: 1>} : vector<1024x2048xi32>
    %slice3A = vector.extract_strided_slice %sub3A {offsets = [0, 0], sizes = [1024, 2048], strides = [1, 1]} : vector<1024x8192xf32> to vector<1024x2048xf32>
    %reduce_min3A = arith.constant dense<0x7F800000> : vector<1024xf32>
    %reduce_min3A_22 = vector.multi_reduction <minimumf>, %slice3A, %reduce_min3A [1] : vector<1024x2048xf32> to vector<1024xf32>
    %broadcast_in_dim3A_23 = vector.shape_cast %reduce_min3A_22 : vector<1024xf32> to vector<1024x1xf32>
    %eq3A = vector.broadcast %broadcast_in_dim3A_23 : vector<1024x1xf32> to vector<1024x2048xf32>
    %eq3A_24 = arith.cmpf oeq, %slice3A, %eq3A : vector<1024x2048xf32>
    %jit3A = arith.constant 8192 : i32
    %broadcast_in_dim3A_25 = vector.broadcast %jit3A : i32 to vector<1024x2048xi32>
    %select_n3A = arith.select %eq3A_24, %iota3A, %broadcast_in_dim3A_25 : vector<1024x2048xi1>, vector<1024x2048xi32>
    %reduce_min3A_26 = arith.constant dense<2147483647> : vector<1024xi32>
    %reduce_min3A_27 = vector.multi_reduction <minsi>, %select_n3A, %reduce_min3A_26 [1] : vector<1024x2048xi32> to vector<1024xi32>
    %broadcast_in_dim3A_28 = vector.shape_cast %reduce_min3A_27 : vector<1024xi32> to vector<1024x1xi32>
    %add3A_29 = arith.constant 0 : i32
    %add3A_30 = vector.broadcast %add3A_29 : i32 to vector<1024x1xi32>
    %add3A_31 = arith.addi %broadcast_in_dim3A_28, %add3A_30 : vector<1024x1xi32>
    %lt3A = arith.cmpf olt, %broadcast_in_dim3A_23, %broadcast_in_dim3A_21 : vector<1024x1xf32>
    %select_n3A_32 = arith.select %lt3A, %add3A_31, %broadcast_in_dim3A_17 : vector<1024x1xi1>, vector<1024x1xi32>
    %select_n3A_33 = arith.select %lt3A, %broadcast_in_dim3A_23, %broadcast_in_dim3A_19 : vector<1024x1xi1>, vector<1024x1xf32>
    %convert_element_type3A_34 = arith.truncf %broadcast_in_dim3A_23 : vector<1024x1xf32> to vector<1024x1xbf16>
    %convert_element_type3A_35 = arith.extf %convert_element_type3A_34 : vector<1024x1xbf16> to vector<1024x1xf32>
    %select_n3A_36 = arith.select %lt3A, %convert_element_type3A_35, %broadcast_in_dim3A_21 : vector<1024x1xi1>, vector<1024x1xf32>
    %slice3A_37 = vector.extract_strided_slice %sub3A {offsets = [0, 2048], sizes = [1024, 2048], strides = [1, 1]} : vector<1024x8192xf32> to vector<1024x2048xf32>
    %reduce_min3A_38 = arith.constant dense<0x7F800000> : vector<1024xf32>
    %reduce_min3A_39 = vector.multi_reduction <minimumf>, %slice3A_37, %reduce_min3A_38 [1] : vector<1024x2048xf32> to vector<1024xf32>
    %broadcast_in_dim3A_40 = vector.shape_cast %reduce_min3A_39 : vector<1024xf32> to vector<1024x1xf32>
    %eq3A_41 = vector.broadcast %broadcast_in_dim3A_40 : vector<1024x1xf32> to vector<1024x2048xf32>
    %eq3A_42 = arith.cmpf oeq, %slice3A_37, %eq3A_41 : vector<1024x2048xf32>
    %jit3A_43 = arith.constant 8192 : i32
    %broadcast_in_dim3A_44 = vector.broadcast %jit3A_43 : i32 to vector<1024x2048xi32>
    %select_n3A_45 = arith.select %eq3A_42, %iota3A, %broadcast_in_dim3A_44 : vector<1024x2048xi1>, vector<1024x2048xi32>
    %reduce_min3A_46 = arith.constant dense<2147483647> : vector<1024xi32>
    %reduce_min3A_47 = vector.multi_reduction <minsi>, %select_n3A_45, %reduce_min3A_46 [1] : vector<1024x2048xi32> to vector<1024xi32>
    %broadcast_in_dim3A_48 = vector.shape_cast %reduce_min3A_47 : vector<1024xi32> to vector<1024x1xi32>
    %add3A_49 = arith.constant 2048 : i32
    %add3A_50 = vector.broadcast %add3A_49 : i32 to vector<1024x1xi32>
    %add3A_51 = arith.addi %broadcast_in_dim3A_48, %add3A_50 : vector<1024x1xi32>
    %lt3A_52 = arith.cmpf olt, %broadcast_in_dim3A_40, %select_n3A_36 : vector<1024x1xf32>
    %select_n3A_53 = arith.select %lt3A_52, %add3A_51, %select_n3A_32 : vector<1024x1xi1>, vector<1024x1xi32>
    %select_n3A_54 = arith.select %lt3A_52, %broadcast_in_dim3A_40, %select_n3A_33 : vector<1024x1xi1>, vector<1024x1xf32>
    %convert_element_type3A_55 = arith.truncf %broadcast_in_dim3A_40 : vector<1024x1xf32> to vector<1024x1xbf16>
    %convert_element_type3A_56 = arith.extf %convert_element_type3A_55 : vector<1024x1xbf16> to vector<1024x1xf32>
    %select_n3A_57 = arith.select %lt3A_52, %convert_element_type3A_56, %select_n3A_36 : vector<1024x1xi1>, vector<1024x1xf32>
    %slice3A_58 = vector.extract_strided_slice %sub3A {offsets = [0, 4096], sizes = [1024, 2048], strides = [1, 1]} : vector<1024x8192xf32> to vector<1024x2048xf32>
    %reduce_min3A_59 = arith.constant dense<0x7F800000> : vector<1024xf32>
    %reduce_min3A_60 = vector.multi_reduction <minimumf>, %slice3A_58, %reduce_min3A_59 [1] : vector<1024x2048xf32> to vector<1024xf32>
    %broadcast_in_dim3A_61 = vector.shape_cast %reduce_min3A_60 : vector<1024xf32> to vector<1024x1xf32>
    %eq3A_62 = vector.broadcast %broadcast_in_dim3A_61 : vector<1024x1xf32> to vector<1024x2048xf32>
    %eq3A_63 = arith.cmpf oeq, %slice3A_58, %eq3A_62 : vector<1024x2048xf32>
    %jit3A_64 = arith.constant 8192 : i32
    %broadcast_in_dim3A_65 = vector.broadcast %jit3A_64 : i32 to vector<1024x2048xi32>
    %select_n3A_66 = arith.select %eq3A_63, %iota3A, %broadcast_in_dim3A_65 : vector<1024x2048xi1>, vector<1024x2048xi32>
    %reduce_min3A_67 = arith.constant dense<2147483647> : vector<1024xi32>
    %reduce_min3A_68 = vector.multi_reduction <minsi>, %select_n3A_66, %reduce_min3A_67 [1] : vector<1024x2048xi32> to vector<1024xi32>
    %broadcast_in_dim3A_69 = vector.shape_cast %reduce_min3A_68 : vector<1024xi32> to vector<1024x1xi32>
    %add3A_70 = arith.constant 4096 : i32
    %add3A_71 = vector.broadcast %add3A_70 : i32 to vector<1024x1xi32>
    %add3A_72 = arith.addi %broadcast_in_dim3A_69, %add3A_71 : vector<1024x1xi32>
    %lt3A_73 = arith.cmpf olt, %broadcast_in_dim3A_61, %select_n3A_57 : vector<1024x1xf32>
    %select_n3A_74 = arith.select %lt3A_73, %add3A_72, %select_n3A_53 : vector<1024x1xi1>, vector<1024x1xi32>
    %select_n3A_75 = arith.select %lt3A_73, %broadcast_in_dim3A_61, %select_n3A_54 : vector<1024x1xi1>, vector<1024x1xf32>
    %convert_element_type3A_76 = arith.truncf %broadcast_in_dim3A_61 : vector<1024x1xf32> to vector<1024x1xbf16>
    %convert_element_type3A_77 = arith.extf %convert_element_type3A_76 : vector<1024x1xbf16> to vector<1024x1xf32>
    %select_n3A_78 = arith.select %lt3A_73, %convert_element_type3A_77, %select_n3A_57 : vector<1024x1xi1>, vector<1024x1xf32>
    %slice3A_79 = vector.extract_strided_slice %sub3A {offsets = [0, 6144], sizes = [1024, 2048], strides = [1, 1]} : vector<1024x8192xf32> to vector<1024x2048xf32>
    %reduce_min3A_80 = arith.constant dense<0x7F800000> : vector<1024xf32>
    %reduce_min3A_81 = vector.multi_reduction <minimumf>, %slice3A_79, %reduce_min3A_80 [1] : vector<1024x2048xf32> to vector<1024xf32>
    %broadcast_in_dim3A_82 = vector.shape_cast %reduce_min3A_81 : vector<1024xf32> to vector<1024x1xf32>
    %eq3A_83 = vector.broadcast %broadcast_in_dim3A_82 : vector<1024x1xf32> to vector<1024x2048xf32>
    %eq3A_84 = arith.cmpf oeq, %slice3A_79, %eq3A_83 : vector<1024x2048xf32>
    %jit3A_85 = arith.constant 8192 : i32
    %broadcast_in_dim3A_86 = vector.broadcast %jit3A_85 : i32 to vector<1024x2048xi32>
    %select_n3A_87 = arith.select %eq3A_84, %iota3A, %broadcast_in_dim3A_86 : vector<1024x2048xi1>, vector<1024x2048xi32>
    %reduce_min3A_88 = arith.constant dense<2147483647> : vector<1024xi32>
    %reduce_min3A_89 = vector.multi_reduction <minsi>, %select_n3A_87, %reduce_min3A_88 [1] : vector<1024x2048xi32> to vector<1024xi32>
    %broadcast_in_dim3A_90 = vector.shape_cast %reduce_min3A_89 : vector<1024xi32> to vector<1024x1xi32>
    %add3A_91 = arith.constant 6144 : i32
    %add3A_92 = vector.broadcast %add3A_91 : i32 to vector<1024x1xi32>
    %add3A_93 = arith.addi %broadcast_in_dim3A_90, %add3A_92 : vector<1024x1xi32>
    %lt3A_94 = arith.cmpf olt, %broadcast_in_dim3A_82, %select_n3A_78 : vector<1024x1xf32>
    %select_n3A_95 = arith.select %lt3A_94, %add3A_93, %select_n3A_74 : vector<1024x1xi1>, vector<1024x1xi32>
    %select_n3A_96 = arith.select %lt3A_94, %broadcast_in_dim3A_82, %select_n3A_75 : vector<1024x1xi1>, vector<1024x1xf32>
    %swap3A = arith.constant 0 : index
    %swap3A_97 = arith.constant 0 : index
    %swap3A_98 = vector.load %arg5[%swap3A, %swap3A_97] : memref<1024x1xi32, #tpu.memory_space<vmem>>, vector<1024x1xi32>
    tpu.vector_store %arg5[%swap3A, %swap3A_97], %select_n3A_95 {strides = array<i32>} : memref<1024x1xi32, #tpu.memory_space<vmem>>, vector<1024x1xi32>,
    %reduce_sum3A = vector.shape_cast %select_n3A_96 : vector<1024x1xf32> to vector<1x1024x1xf32>
    %reduce_sum3A_99 = arith.constant dense<0.000000e+00> : vector<1xf32>
    %reduce_sum3A_100 = vector.multi_reduction <add>, %reduce_sum3A, %reduce_sum3A_99 [1, 2] : vector<1x1024x1xf32> to vector<1xf32>
    %reduce_sum3A_101 = vector.shape_cast %reduce_sum3A_100 : vector<1xf32> to vector<1x1x1xf32>
    %reduce_sum3A_102 = vector.extract %reduce_sum3A_101[0, 0, 0] : f32 from vector<1x1x1xf32>
    %broadcast_in_dim3A_103 = vector.broadcast %reduce_sum3A_102 : f32 to vector<1x1xf32>
    %eq3A_104 = arith.constant 0 : i32
    %eq3A_105 = arith.cmpi eq, %arg0, %eq3A_104 : i32
    %convert_element_type3A_106 = arith.extui %eq3A_105 : i1 to i32
    %cond3A = arith.constant 0 : i32
    %cond3A_107 = arith.cmpi ne, %convert_element_type3A_106, %cond3A : i32
    scf.if %cond3A_107 {
      %broadcast_in_dim3A_120 = arith.constant 0.000000e+00 : f32
      %broadcast_in_dim3A_121 = vector.broadcast %broadcast_in_dim3A_120 : f32 to vector<1x1xf32>
      %swap3A_122 = arith.constant 0 : index
      %swap3A_123 = arith.constant 0 : index
      %swap3A_124 = vector.load %arg6[%swap3A_122, %swap3A_123] : memref<1x1xf32, #tpu.memory_space<vmem>>, vector<1x1xf32>
      tpu.vector_store %arg6[%swap3A_122, %swap3A_123], %broadcast_in_dim3A_121 {strides = array<i32>} : memref<1x1xf32, #tpu.memory_space<vmem>>, vector<1x1xf32>,
    } else {
    }
    %get3A_108 = arith.constant 0 : index
    %get3A_109 = arith.constant 0 : index
    %get3A_110 = vector.load %arg6[%get3A_108, %get3A_109] : memref<1x1xf32, #tpu.memory_space<vmem>>, vector<1x1xf32>
    %add3A_111 = arith.addf %get3A_110, %broadcast_in_dim3A_103 : vector<1x1xf32>
    %swap3A_112 = arith.constant 0 : index
    %swap3A_113 = arith.constant 0 : index
    %swap3A_114 = vector.load %arg6[%swap3A_112, %swap3A_113] : memref<1x1xf32, #tpu.memory_space<vmem>>, vector<1x1xf32>
    tpu.vector_store %arg6[%swap3A_112, %swap3A_113], %add3A_111 {strides = array<i32>} : memref<1x1xf32, #tpu.memory_space<vmem>>, vector<1x1xf32>,
    %eq3A_115 = arith.constant 7 : i32
    %eq3A_116 = arith.cmpi eq, %arg0, %eq3A_115 : i32
    %convert_element_type3A_117 = arith.extui %eq3A_116 : i1 to i32
    %cond3A_118 = arith.constant 0 : i32
    %cond3A_119 = arith.cmpi ne, %convert_element_type3A_117, %cond3A_118 : i32
    scf.if %cond3A_119 {
      %get3A_120 = arith.constant 0 : index
      %get3A_121 = arith.constant 0 : index
      %get3A_122 = vector.load %arg6[%get3A_120, %get3A_121] : memref<1x1xf32, #tpu.memory_space<vmem>>, vector<1x1xf32>
      %mul3A_123 = arith.constant 4.76837158E-6 : f32
      %mul3A_124 = vector.broadcast %mul3A_123 : f32 to vector<1x1xf32>
      %mul3A_125 = arith.mulf %get3A_122, %mul3A_124 : vector<1x1xf32>
      %swap3A_126 = arith.constant 0 : index
      %swap3A_127 = arith.constant 0 : index
      %swap3A_128 = vector.load %arg6[%swap3A_126, %swap3A_127] : memref<1x1xf32, #tpu.memory_space<vmem>>, vector<1x1xf32>
      tpu.vector_store %arg6[%swap3A_126, %swap3A_127], %mul3A_125 {strides = array<i32>} : memref<1x1xf32, #tpu.memory_space<vmem>>, vector<1x1xf32>,
    } else {
    }
    return
  }
  func.func @transform_0(%arg0: i32) -> (i32, i32) {
    %c0_i32 = arith.constant 0 : i32
    %c0_i32_0 = arith.constant 0 : i32
    return %arg0, %c0_i32 : i32, i32
  }
  func.func @transform_1(%arg0: i32) -> (i32, i32) {
    %c0_i32 = arith.constant 0 : i32
    %c0_i32_0 = arith.constant 0 : i32
    %c0_i32_1 = arith.constant 0 : i32
    return %c0_i32, %c0_i32_0 : i32, i32
  }
  func.func @transform_2(%arg0: i32) -> (i32, i32) {
    %c0_i32 = arith.constant 0 : i32
    %c0_i32_0 = arith.constant 0 : i32
    return %arg0, %c0_i32 : i32, i32
  }
  func.func @transform_3(%arg0: i32) -> (i32, i32) {
    %c0_i32 = arith.constant 0 : i32
    %c0_i32_0 = arith.constant 0 : i32
    %c0_i32_1 = arith.constant 0 : i32
    return %c0_i32, %c0_i32_0 : i32, i32
  }
  func.func @transform_4(%arg0: i32) -> (i32, i32) {
    %c0_i32 = arith.constant 0 : i32
    %c0_i32_0 = arith.constant 0 : i32
    return %arg0, %c0_i32 : i32, i32
  }
  func.func @transform_5(%arg0: i32) -> (i32, i32) {
    %c0_i32 = arith.constant 0 : i32
    %c0_i32_0 = arith.constant 0 : i32
    %c0_i32_1 = arith.constant 0 : i32
    return %c0_i32, %c0_i32_0 : i32, i32
  }
}

</mosaic_0001>

<sc_bundles>
// kernel: kernel.4.cloned.1.call-start
scs
__scs_entry_jumppad:
0x0: {  	(pc) =	sbr.rel $0x88, $3  }
0x1: {  	(tag) =	ssettag $0x0;
	lr =	simm.s32 $0x1  }
0x2: {  	[smem:$0x3F9F] =	sst lr;
	_ =	strace $0xD0000000  }
0x3: {  	_ = 	snop  }
0x4: {  	_ = 	snop  }
0x5: {  	_ = 	snop  }
0x6: {  	_ = 	snop  }
0x7: {  	_ = 	snop  }
__scs_overlays_trampoline_lowered:
0x8: {  	[smem:$0x3FAE] =	sst s0  }
0x9: {  	[smem:$0x3FAF] =	sst s1  }
0xa: {  	[smem:$0x3FB0] =	sst s2  }
0xb: {  	[smem:$0x3FB1] =	sst s3  }
0xc: {  	[smem:$0x3FB2] =	sst s4  }
0xd: {  	[smem:$0x3FB3] =	sst s5  }
0xe: {  	[smem:$0x3FB4] =	sst s6  }
0xf: {  	[smem:$0x3FB5] =	sst s7  }
0x10: {  	[smem:$0x3FB6] =	sst s8  }
0x11: {  	[smem:$0x3FB7] =	sst s9;
	s0 =	simm.s32 @!p0 $0x0  }
0x12: {  	s1 =	sld [smem:$0x3F9D];
	s0 =	simm.s32 @p0 $0x1  }
0x13: {  	[smem:$0x3FB8] =	sst s0;
	s0 =	simm.s32 @!p1 $0x0  }
0x14: {  	s2 =	sld [smem:$0x3F9C];
	s0 =	simm.s32 @p1 $0x1  }
0x15: {  	[smem:$0x3FB9] =	sst s0;
	s0 =	simm.s32 @!p2 $0x0  }
0x16: {  	s3 =	sld [smem:$0x3FDB];
	s0 =	simm.s32 @p2 $0x1  }
0x17: {  	s4 =	simm.s32 $0x1BF5;
	[smem:$0x3FBB] =	sst s0  }
0x18: {  	s0 =	sld [smem:$0x3F9E];
	_ =	swait.ge [sflag:s4], $0x0  }
0x19: {  	s7 =	sld [smem:$0x3F9F]  }
0x1a: {  	s8 =	sadd.s32 $0xFFFFE003, lr  }
0x1b: {  	s9 =	sadd.s32 $0xFFFFFEF7, lr;
	s5 =	simm.s32 $0xFFFFFFFF;
	p2 =	slt.u32 s8, $0xFFFFF086  }
0x1c: {  	p1 =	slt.u32 s9, $0xF7A;
	s5 =	simm.s32 @!p2 $0x0  }
0x1d: {  	s5 =	simm.s32 @p1 $0x1;
	p0 =	seq.s32 s7, s2  }
0x1e: {  	s7 =	smul.u32 @!p0 $0xF7A, s2;
	p2 =	seq.s32 @!p0 s5, $0x0  }
0x1f: {  	s9 =	smul.u32 $0xF7A, s1;
	s8 =	simm.s32 @!p0 $0x1BF5;
	p2 =	por !p2, p0  }
0x20: {  	[sflag:s8] =	ssyncset.s32 @!p0 $0xFFFFF086;
	s6 =	sadd.s32 @!p0 s3, s7;
	s7 =	simm.s32 @!p0 $0x108  }
0x21: {  	s3 =	sadd.s32 s3, s9;
	s6 =	sadd.s32 @!p0 $0x88, s6;
	s7 =	simm.s32 @p2 $0x1082  }
0x22: {  	[simem:s7], [sflag:s8] =	dma.local @!p0 [hbm:s6], $0xF7A  }
0x23: {  	s9 =	sor.u32 $0xD0000000, s2;
	s6 =	simm.s32 $0x108;
	_ =	swait.ge @!p0 [sflag:s8], $0x0  }
0x24: {  	s3 =	sadd.s32 $0x88, s3;
	s6 =	simm.s32 @!p1 $0x1082;
	[sflag:s4] =	ssyncset.s32 $0xFFFFF086  }
0x25: {  	[simem:s6], [sflag:s4] =	dma.local [hbm:s3], $0xF7A  }
0x26: {  	[smem:$0x3F9F] =	sst s1;
	(tag) =	ssettag s2;
	_ =	strace s9  }
0x27: {  	s1 =	sld [smem:$0x3FAF]  }
0x28: {  	s2 =	sld [smem:$0x3FB0]  }
0x29: {  	s4 =	sld [smem:$0x3FB2]  }
0x2a: {  	p0 =	seq.s32 s5, $0x0;
	s5 =	sld [smem:$0x3FB3]  }
0x2b: {  	s6 =	sld [smem:$0x3FB4]  }
0x2c: {  	s7 =	sld [smem:$0x3FB5]  }
0x2d: {  	s3 =	simm.s32 $0x108;
	s8 =	sld [smem:$0x3FB6]  }
0x2e: {  	s3 =	simm.s32 @!p0 $0x1082;
	s9 =	sld [smem:$0x3FB7]  }
0x2f: {  	lr =	sadd.s32 s0, s3;
	s0 =	sld [smem:$0x3FAE]  }
0x30: {  	s3 =	sld [smem:$0x3FB1]  }
0x31: {  	[smem:$0x3FBA] =	sst s10  }
0x32: {  	s10 =	sld [smem:$0x3FB8];
	_ =	sdelay $0x3  }
0x33: {  	p0 =	seq.s32 s10, $0x1;
	s10 =	sld [smem:$0x3FBA];
	_ =	sdelay $0x3  }
0x34: {  	[smem:$0x3FBA] =	sst s10  }
0x35: {  	s10 =	sld [smem:$0x3FB9];
	_ =	sdelay $0x3  }
0x36: {  	p1 =	seq.s32 s10, $0x1;
	s10 =	sld [smem:$0x3FBA];
	_ =	sdelay $0x3  }
0x37: {  	[smem:$0x3FBA] =	sst s10  }
0x38: {  	s10 =	sld [smem:$0x3FBB]  }
0x39: {  	_ = 	snop;
	(pc) =	sbr.ind lr, $3  }
0x3a: {  	_ = 	snop  }
0x3b: {  	_ = 	snop  }
0x3c: {  	p2 =	seq.s32 s10, $0x1;
	s10 =	sld [smem:$0x3FBA]  }
0x3d: {  	_ =	shalt  }
0x3e: {  	_ =	shalt  }
0x3f: {  	_ =	shalt  }
0x40: {  	_ =	shalt  }
0x41: {  	_ =	shalt  }
0x42: {  	_ =	shalt  }
0x43: {  	_ =	shalt  }
0x44: {  	_ =	shalt  }
0x45: {  	_ =	shalt  }
0x46: {  	_ =	shalt  }
0x47: {  	_ =	shalt  }
0x48: {  	_ =	shalt  }
0x49: {  	_ =	shalt  }
0x4a: {  	_ =	shalt  }
0x4b: {  	_ =	shalt  }
0x4c: {  	_ =	shalt  }
0x4d: {  	_ =	shalt  }
0x4e: {  	_ =	shalt  }
0x4f: {  	_ =	shalt  }
0x50: {  	_ =	shalt  }
0x51: {  	_ =	shalt  }
0x52: {  	_ =	shalt  }
0x53: {  	_ =	shalt  }
0x54: {  	_ =	shalt  }
0x55: {  	_ =	shalt  }
0x56: {  	_ =	shalt  }
0x57: {  	_ =	shalt  }
0x58: {  	_ =	shalt  }
0x59: {  	_ =	shalt  }
0x5a: {  	_ =	shalt  }
0x5b: {  	_ =	shalt  }
0x5c: {  	_ =	shalt  }
0x5d: {  	_ =	shalt  }
0x5e: {  	_ =	shalt  }
0x5f: {  	_ =	shalt  }
0x60: {  	_ =	shalt  }
0x61: {  	_ =	shalt  }
0x62: {  	_ =	shalt  }
0x63: {  	_ =	shalt  }
0x64: {  	_ =	shalt  }
0x65: {  	_ =	shalt  }
0x66: {  	_ =	shalt  }
0x67: {  	_ =	shalt  }
0x68: {  	_ =	shalt  }
0x69: {  	_ =	shalt  }
0x6a: {  	_ =	shalt  }
0x6b: {  	_ =	shalt  }
0x6c: {  	_ =	shalt  }
0x6d: {  	_ =	shalt  }
0x6e: {  	_ =	shalt  }
0x6f: {  	_ =	shalt  }
0x70: {  	_ =	shalt  }
0x71: {  	_ =	shalt  }
0x72: {  	_ =	shalt  }
0x73: {  	_ =	shalt  }
0x74: {  	_ =	shalt  }
0x75: {  	_ =	shalt  }
0x76: {  	_ =	shalt  }
0x77: {  	_ =	shalt  }
0x78: {  	_ =	shalt  }
0x79: {  	_ =	shalt  }
0x7a: {  	_ =	shalt  }
0x7b: {  	_ =	shalt  }
0x7c: {  	_ =	shalt  }
0x7d: {  	_ =	shalt  }
0x7e: {  	_ =	shalt  }
0x7f: {  	_ =	shalt  }
0x80: {  	_ =	shalt  }
0x81: {  	_ =	shalt  }
0x82: {  	_ =	shalt  }
0x83: {  	_ =	shalt  }
0x84: {  	_ =	shalt  }
0x85: {  	_ =	shalt  }
0x86: {  	_ =	shalt  }
0x87: {  	_ =	shalt  }
.Lfunc_end0:
.L_simem_size_0:
called_computation_lowered:
.L_overlay_start_0:
0x88: {  	s2 =	sld [smem:$0x3FD9]  }
0x89: {  	s3 =	sld [smem:$0x3FFE];
	_ =	sdelay $0x1  }
0x8a: {  	s1 =	srdreg.scid  }
0x8b: {  	s0 =	sand.u32 $0x1, s1  }
0x8c: {  	s14 =	sshll.u32 s0, $0xA;
	s2 =	sadd.s32 s3, s2  }
0x8d: {  	s2 =	sadd.s32 s2, s14  }
0x8e: {  	[smem:$0x3FC6] =	sst s2  }
0x8f: {  	_ = 	snop  }
0x90: {  	s2 =	sld [smem:$0x3FD0];
	_ =	sdelay $0x2  }
0x91: {  	s15 =	simm.s32 $0xA;
	s4 =	simm.s32 $0x10  }
0x92: {  	[smem:s4], [sflag:s15] =	dma.local [hbm:s2], $0x1  }
0x93: {  	_ =	swait.eq [sflag:s15], $0x1  }
0x94: {  	[sflag:s15] =	ssyncset.done $0x0  }
0x95: {  	[sflag:s15] =	ssyncadd.s32 $0xFFFFFFFF  }
0x96: {  	s16 =	sld [smem:$0x11];
	(tm) =	ssettm $0x1  }
0x97: {  	s17 =	sld [smem:$0x3FFB];
	_ =	sdelay $0x3  }
0x98: {  	_ =	strace s17  }
0x99: {  	s3 =	sld [smem:$0x3FFC];
	_ =	sdelay $0x3  }
0x9a: {  	_ =	strace s3  }
0x9b: {  	s3 =	sld [smem:$0x3FFD];
	_ =	sdelay $0x3  }
0x9c: {  	_ =	strace s3  }
0x9d: {  	_ =	strace $0x8FFFFFFF  }
0x9e: {  	s18 =	sld [smem:$0x3FDB];
	_ =	sdelay $0x1  }
0x9f: {  	s19 =	simm.s32 $_scs_section_size  }
0xa0: {  	s5 =	simm.s32 $_size__tile_overlayer_lowered;
	s6 =	simm.s32 $_tile_overlayer_lowered  }
0xa1: {  	s22 =	simm.s32 $0x1BFF;
	s21 =	sshll.u32 s6, $0x1;
	s3 =	sadd.s32 s19, s18  }
0xa2: {  	s7 =	simm.s32 $0x0;
	s20 =	sshll.u32 s5, $0x1;
	s5 =	sadd.s32 s21, s3  }
0xa3: {  	[timem:s7], [sflag:s22] =	dma.local [hbm:s5], s20  }
0xa4: {  	_ =	swait.ge [sflag:s22], s20  }
0xa5: {  	s4 =	ssub.s32 $0x0, s20;
	[sflag:s22] =	ssyncset.done $0x0  }
0xa6: {  	[sflag:s22] =	ssyncadd.s32 s4;
	_ =	sdelay $0x1  }
0xa7: {  	s23 =	simm.s32 $0x1B8B  }
0xa8: {  	_ =	swait.ge [sflag:s23], $0x1  }
0xa9: {  	[sflag:s23] =	ssyncset.done $0x0  }
0xaa: {  	s25 =	simm.s32 $0x1B8E;
	s24 =	sld [smem:$0x3FFE];
	[sflag:s23] =	ssyncadd.s32 $0xFFFFFFFF  }
0xab: {  	s26 =	simm.s32 $execute0_lowered;
	[smem:$0x3FD2] =	sst s25  }
0xac: {  	s5 =	sshll.u32 s26, $0x1;
	_ =	strace $0x80000046;
	[dreg:$0x1] =	wrdreg $0xFFFFFFFF  }
0xad: {  	s28 =	simm.s32 $_size_execute0_lowered;
	s3 =	sadd.s32 s3, s5;
	[dreg:$0x0] =	wrdreg $0x0  }
0xae: {  	s5 =	sshll.u32 s28, $0x1;
	[dreg:$0x2] =	wrdreg s3  }
0xaf: {  	[dreg:$0x3] =	wrdreg s5  }
0xb0: {  	[dreg:$0x4] =	wrdreg $0xC0  }
0xb1: {  	_ =	task [dreg:s7], $0x5FFFF  }
0xb2: {  	[dreg:$0x1] =	wrdreg $0xFFFFFFFF  }
0xb3: {  	[dreg:$0x0] =	wrdreg $0x60  }
0xb4: {  	[dreg:$0x2] =	wrdreg s16  }
0xb5: {  	[dreg:$0x3] =	wrdreg s24  }
0xb6: {  	[dreg:$0x4] =	wrdreg $0x9  }
0xb7: {  	_ =	task.clear_ibuf [dreg:s7], $0x5FFFF;
	_ =	strace $0x90000046  }
0xb8: {  	s29 =	simm.s32 $0x9;
	_ =	strace $0x8000004F  }
0xb9: {  	_ =	swait.ge [sflag:s29], $0x1  }
0xba: {  	[sflag:s29] =	ssyncadd.s32 $0xFFFFFFFF  }
0xbb: {  	_ =	strace $0x9000004F  }
0xbc: {  	_ =	sfence  }
0xbd: {  	s30 =	sld [smem:$0x0];
	_ =	sdelay $0x2  }
0xbe: {  	s31 =	sshll.u32 s1, $0xD;
	s1 =	sshrl.u32 s1, $0x2  }
0xbf: {  	s3 =	sand.u32 $0x4000, s31;
	s1 =	sadd.s32 s1, s30  }
0xc0: {  	s0 =	sor.u32 s3, s0;
	s1 =	sshll.u32 s1, $0x11  }
0xc1: {  	s0 =	sor.u32 s1, s0  }
0xc2: {  	s0 =	sadd.s32 $0x8F2B, s0  }
0xc3: {  	[sflag:s0] =	ssyncadd.remote.s32 $0x1  }
0xc4: {  	_ =	sfence.sel $0xFFFF  }
0xc5: {  	[dreg:$0x0] =	wrdreg $0xFFFFFFFF;
	(pc) =	sbr.abs _section_cstart, $3  }
0xc6: {  	[dreg:$0x1] =	wrdreg $0xFFFFFFFF  }
0xc7: {  	_ =	task.clear_ibuf [dreg:s7], $0x2FFFF;
	_ =	strace $0x9FFFFFFF  }
0xc8: {  	(tm) =	ssettm $0x7FFFFFFF  }
0xc9: {  	_ =	shalt  }
tec
execute0_lowered:
.L_overlay_start_1:
0x0: {  	(tag) =	ssettag $0x1  }
0x1: {  	s2 =	rddreg [dreg:$0x0]  }
0x2: {  	s10 =	rddreg [dreg:$0x1];
	s3 =	simm.s32 $0x0  }
0x3: {  	s1 =	stileid.u32;
	[smem:$0x7FF] =	sst s3  }
0x4: {  	s0 =	rddreg [dreg:$0x2];
	s4 =	sshll.u32 s1, $0x6;
	_ =	strace $0x80000047  }
0x5: {  	s4 =	sadd.s32 s10, s4;
	_ =	strace $0x80000048  }
0x6: {  	[tilespmem:s3], [sflag:$0x1] =	stream.linear.gather [hbm4b:s4+s3], $0x100, $0x200038;
	[tilespmem:$0x10200] =	vst v63  }
0x7: {  	_ =	strace $0x90000048  }
0x8: {  	s6 =	simm.s32 $0x100;
	s5 =	sadd.s32 $0x20, s4;
	_ =	strace $0x80000049  }
0x9: {  	[tilespmem:s6], [sflag:$0x2] =	stream.linear.gather [hbm4b:s5+s3], $0x100, $0x200038;
	[tilespmem:$0x10200] =	vst v63  }
0xa: {  	_ =	strace $0x90000049  }
0xb: {  	s7 =	simm.s32 $0x1;
	_ =	strace $0x8000004A  }
0xc: {  	_ =	swait.ge [sflag:s7], $0x100  }
0xd: {  	[sflag:s7] =	ssyncset.done $0x0  }
0xe: {  	[sflag:s7] =	ssyncadd.s32 $0xFFFFFF00  }
0xf: {  	_ =	strace $0x9000004A  }
0x10: {  	s8 =	simm.s32 $0x200;
	s9 =	simm.s32 $0x5;
	_ =	strace $0x8000004B  }
0x11: {  	[tilespmem:s8], [sflag:$0x5] =	stream.indirect.gather [hbm4b:s2+s6], $0x80, s3, s6, $0x2000b8;
	[tilespmem:$0x10200] =	vst v63  }
0x12: {  	_ =	swait.ge [sflag:s9], $0x8000  }
0x13: {  	[sflag:s9] =	ssyncset.done $0x0  }
0x14: {  	s11 =	sshll.u32 s1, $0xD;
	[sflag:s9] =	ssyncadd.s32 $0xFFFF8000  }
0x15: {  	s13 =	sadd.s32 s11, s10;
	_ =	strace $0x9000004B  }
0x16: {  	s10 =	sadd.s32 $0x400, s13;
	_ =	strace $0x8000004C  }
0x17: {  	[hbm4b:s10+s3] =	stream.linear.scatter [tilespmem:s8], [sflag:$0x3], $0x8000, $0x200038;
	[tilespmem:$0x10200] =	vst v63  }
0x18: {  	_ =	strace $0x9000004C  }
0x19: {  	s11 =	simm.s32 $0x2;
	_ =	strace $0x8000004A  }
0x1a: {  	_ =	swait.ge [sflag:s11], $0x100  }
0x1b: {  	[sflag:s11] =	ssyncset.done $0x0  }
0x1c: {  	[sflag:s11] =	ssyncadd.s32 $0xFFFFFF00  }
0x1d: {  	_ =	strace $0x9000004A  }
0x1e: {  	s12 =	simm.s32 $0x8200;
	_ =	strace $0x8000004B  }
0x1f: {  	[tilespmem:s12], [sflag:$0x5] =	stream.indirect.gather [hbm4b:s2+s6], $0x80, s6, s6, $0x2000b8;
	[tilespmem:$0x10200] =	vst v63  }
0x20: {  	_ =	swait.ge [sflag:s9], $0x8000  }
0x21: {  	[sflag:s9] =	ssyncset.done $0x0  }
0x22: {  	[sflag:s9] =	ssyncadd.s32 $0xFFFF8000  }
0x23: {  	s15 =	srdreg.scid;
	_ =	strace $0x9000004B  }
0x24: {  	s15 =	sand.u32 $0x1, s15;
	s13 =	sadd.s32 $0x1400, s13;
	_ =	strace $0x8000004C  }
0x25: {  	[hbm4b:s13+s3] =	stream.linear.scatter [tilespmem:s12], [sflag:$0x4], $0x8000, $0x200038;
	[tilespmem:$0x10200] =	vst v63  }
0x26: {  	s15 =	ssub.s32 $0x2, s15;
	_ =	strace $0x9000004C  }
0x27: {  	s14 =	simm.s32 $0x3;
	s16 =	sshrl.u32 s15, $0x1;
	_ =	strace $0x8000004D  }
0x28: {  	s16 =	ssub.s32 s15, s16;
	_ =	swait.ge [sflag:s14], $0x8000  }
0x29: {  	s16 =	smax.u32 s16, $0x1;
	[sflag:s14] =	ssyncset.done $0x0  }
0x2a: {  	p0 =	sne.s32 s16, $0x1;
	[sflag:s14] =	ssyncadd.s32 $0xFFFF8000  }
.Ltmp0:
0x2b: {  	_ =	strace $0x9000004D;
	(pc) =	sbr.rel @!p0 .LBB2_2-.Ltmp0, $4  }
0x2c: {  	s15 =	simm.s32 $0x4;
	_ =	strace $0x8000004E  }
0x2d: {  	_ =	swait.ge [sflag:s15], $0x8000  }
0x2e: {  	[sflag:s15] =	ssyncset.done $0x0  }
0x2f: {  	s16 =	sadd.s32 $0xFFFFFFFF, s16;
	[sflag:s15] =	ssyncadd.s32 $0xFFFF8000  }
.LBB2_1:
0x30: {  	p0 =	sne.s32 s16, $0x1;
	s16 =	sadd.s32 $0xFFFFFFFF, s16;
	_ =	strace $0x9000004E  }
0x31: {  	_ =	strace $0x80000048  }
0x32: {  	[tilespmem:s3], [sflag:$0x1] =	stream.linear.gather [hbm4b:s4+s3], $0x100, $0x200038;
	[tilespmem:$0x10200] =	vst v63  }
0x33: {  	_ =	strace $0x90000048  }
0x34: {  	_ =	strace $0x80000049  }
0x35: {  	[tilespmem:s6], [sflag:$0x2] =	stream.linear.gather [hbm4b:s5+s3], $0x100, $0x200038;
	[tilespmem:$0x10200] =	vst v63  }
0x36: {  	_ =	strace $0x90000049  }
0x37: {  	_ =	strace $0x8000004A  }
0x38: {  	_ =	swait.ge [sflag:s7], $0x100  }
0x39: {  	[sflag:s7] =	ssyncset.done $0x0  }
0x3a: {  	[sflag:s7] =	ssyncadd.s32 $0xFFFFFF00  }
0x3b: {  	_ =	strace $0x9000004A  }
0x3c: {  	_ =	strace $0x8000004B  }
0x3d: {  	[tilespmem:s8], [sflag:$0x5] =	stream.indirect.gather [hbm4b:s2+s6], $0x80, s3, s6, $0x2000b8;
	[tilespmem:$0x10200] =	vst v63  }
0x3e: {  	_ =	swait.ge [sflag:s9], $0x8000  }
0x3f: {  	[sflag:s9] =	ssyncset.done $0x0  }
0x40: {  	[sflag:s9] =	ssyncadd.s32 $0xFFFF8000  }
0x41: {  	_ =	strace $0x9000004B  }
0x42: {  	_ =	strace $0x8000004C  }
0x43: {  	[hbm4b:s10+s3] =	stream.linear.scatter [tilespmem:s8], [sflag:$0x3], $0x8000, $0x200038;
	[tilespmem:$0x10200] =	vst v63  }
0x44: {  	_ =	strace $0x9000004C  }
0x45: {  	_ =	strace $0x8000004A  }
0x46: {  	_ =	swait.ge [sflag:s11], $0x100  }
0x47: {  	[sflag:s11] =	ssyncset.done $0x0  }
0x48: {  	[sflag:s11] =	ssyncadd.s32 $0xFFFFFF00  }
0x49: {  	_ =	strace $0x9000004A  }
0x4a: {  	_ =	strace $0x8000004B  }
0x4b: {  	[tilespmem:s12], [sflag:$0x5] =	stream.indirect.gather [hbm4b:s2+s6], $0x80, s6, s6, $0x2000b8;
	[tilespmem:$0x10200] =	vst v63  }
0x4c: {  	_ =	swait.ge [sflag:s9], $0x8000  }
0x4d: {  	[sflag:s9] =	ssyncset.done $0x0  }
0x4e: {  	[sflag:s9] =	ssyncadd.s32 $0xFFFF8000  }
0x4f: {  	_ =	strace $0x9000004B  }
0x50: {  	_ =	strace $0x8000004C  }
0x51: {  	[hbm4b:s13+s3] =	stream.linear.scatter [tilespmem:s12], [sflag:$0x4], $0x8000, $0x200038;
	[tilespmem:$0x10200] =	vst v63  }
0x52: {  	_ =	strace $0x9000004C  }
0x53: {  	_ =	strace $0x8000004D  }
0x54: {  	_ =	swait.ge [sflag:s14], $0x8000  }
0x55: {  	[sflag:s14] =	ssyncset.done $0x0  }
0x56: {  	[sflag:s14] =	ssyncadd.s32 $0xFFFF8000  }
.Ltmp1:
0x57: {  	_ =	strace $0x9000004D;
	(pc) =	sbr.rel @p0 .LBB2_1-.Ltmp1, $4  }
0x58: {  	_ =	strace $0x8000004E  }
0x59: {  	_ =	swait.ge [sflag:s15], $0x8000  }
0x5a: {  	[sflag:s15] =	ssyncset.done $0x0  }
0x5b: {  	[sflag:s15] =	ssyncadd.s32 $0xFFFF8000  }
.LBB2_2:
0x5c: {  	_ =	strace $0x9000004E  }
0x5d: {  	_ =	sfence.sel $0x180000  }
0x5e: {  	[bflag:$0x0] =	sbarrier.arrive $0xFFFF  }
0x5f: {  	p0 =	sne.s32 s1, $0x0;
	_ =	strace $0x90000047  }
0x60: {  	s0 =	sadd.s32 @!p0 $0x100000, s0;
	[bflag:$0x2] =	sbarrier.arrive $0xFFFF  }
0x61: {  	[sflag:s0] =	ssyncadd.tile.s32 @!p0 $0x1;
	_ =	shalt  }
.Lfunc_end2:
_tile_overlayer_lowered:
.L_overlay_start_2:
0x62: {  	(tag) =	ssettag $0x2  }
0x63: {  	s0 =	rddreg [dreg:$0x0];
	s2 =	stileid.u32  }
0x64: {  	s1 =	rddreg [dreg:$0x1];
	p0 =	sne.s32 s2, $0x0  }
0x65: {  	s3 =	rddreg [dreg:$0x2];
	[bflag:$0x3] =	sbarrier.arrive $0xFFFF;
	s2 =	simm.s32 @!p0 $0x1C01  }
0x66: {  	[timem:s3], [sflag:s2] =	dma.local @!p0 [hbm:s0], s1  }
0x67: {  	s0 =	simm.s32 @!p0 $0x1  }
0x68: {  	_ =	swait.ge @!p0 [sflag:s0], s1  }
0x69: {  	s1 =	ssub.s32 @!p0 $0x0, s1;
	[sflag:s0] =	ssyncset.done @!p0 $0x0  }
0x6a: {  	[sflag:s0] =	ssyncadd.s32 @!p0 s1  }
0x6b: {  	[bflag:$0x3] =	sbarrier.arrive $0xFFFF  }
0x6c: {  	_ =	shalt  }

</sc_bundles>
